<compile_context>
chip_gen: v7x
topology: tpu7x:2x2x1
jax: 0.10.2.dev20260603
libtpu: 0.0.44.dev20260713+nightly
codegen_flags: <defaults>
</compile_context>

<pallas_src>
import jax
import jax.numpy as jnp
from jax import lax
from jax.experimental import pallas as pl
from jax.experimental.pallas import tpu as pltpu
from jax.experimental.pallas import tpu_sc as plsc

_BATCH = 16
_MAX_LEN = 2048
_TOTAL = 32768
_NC = 2
_NS = 16
_L = 16
_HALF = _MAX_LEN // 2
_SLICE = _TOTAL // _NS
_SWIN = 2 * _HALF


def _body(values_hbm, rowids_hbm, out_hbm, rid_v, tab_v, win_v, buf_v,
          shared, sem, rsem):
    c = lax.axis_index("c")
    s = lax.axis_index("s")

    praw = s * _SLICE + c * _HALF - (_SWIN - _HALF) // 2
    pbase = pl.multiple_of(
        jnp.minimum(jnp.maximum(praw, 0), _TOTAL - _SWIN), _L)
    rid_copy = pltpu.make_async_copy(
        rowids_hbm.at[pl.ds(s * _SLICE, _SLICE)], rid_v, rsem)
    rid_copy.start()
    spec = pltpu.make_async_copy(
        values_hbm.at[pl.ds(pbase, _SWIN)], win_v, sem)
    spec.start()
    rid_copy.wait()

    t = lax.iota(jnp.int32, _L)
    lo = jnp.zeros((_L,), jnp.int32)
    hi = jnp.full((_L,), _SLICE, jnp.int32)

    def bs_step(_, carry):
        lo, hi = carry
        mid = (lo + hi) // 2
        v = plsc.load_gather(rid_v, [jnp.minimum(mid, _SLICE - 1)])
        active = lo < hi
        less = (v < t) & active
        lo = jnp.where(less, mid + 1, lo)
        hi = jnp.where(active & jnp.logical_not(less), mid, hi)
        return lo, hi

    lo, hi = lax.fori_loop(0, 12, bs_step, (lo, hi))
    buf_v[pl.ds(0, _L)] = lo.astype(jnp.float32)
    pltpu.sync_copy(buf_v.at[pl.ds(0, _L)], shared.at[pl.ds(s * _L, _L)])
    plsc.subcore_barrier()

    pltpu.sync_copy(shared, tab_v)
    starts = jnp.zeros((_L,), jnp.float32)
    for i in range(_NS):
        starts = starts + tab_v[pl.ds(i * _L, _L)]
    starts = starts.astype(jnp.int32)
    start_b = jnp.sum(jnp.where(t == s, starts, 0))
    end_b = jnp.where(
        s == _NS - 1,
        jnp.int32(_TOTAL),
        jnp.sum(jnp.where(t == s + 1, starts, 0)),
    )

    col0 = start_b + c * _HALF
    spec.wait()
    hit = (col0 >= pbase) & (col0 + _HALF <= pbase + _SWIN)
    base = jnp.minimum((col0 // _L) * _L, _TOTAL - _SWIN)
    base = pl.multiple_of(jnp.maximum(base, 0), _L)

    @pl.when(jnp.logical_not(hit))
    def _():
        pltpu.sync_copy(values_hbm.at[pl.ds(base, _SWIN)], win_v)

    off = col0 - jnp.where(hit, pbase, base)

    rem = (end_b - col0) - t
    lidx0 = off + t

    def copy_step(j, _):
        valid = j * _L < rem
        g = plsc.load_gather(win_v, [jnp.minimum(lidx0 + j * _L, _SWIN - 1)])
        buf_v[pl.ds(j * _L, _L)] = jnp.where(valid, g, 0.0)
        return 0

    lax.fori_loop(0, _HALF // _L, copy_step, 0, unroll=4)

    pltpu.sync_copy(buf_v, out_hbm.at[s, pl.ds(c * _HALF, _HALF)])


def kernel(values, row_ids):
    mesh = plsc.VectorSubcoreMesh(
        core_axis_name="c", subcore_axis_name="s",
        num_cores=_NC, num_subcores=_NS)
    fn = pl.kernel(
        _body,
        out_type=jax.ShapeDtypeStruct((_BATCH, _MAX_LEN), jnp.float32),
        mesh=mesh,
        compiler_params=pltpu.CompilerParams(needs_layout_passes=False),
        scratch_types=[
            pltpu.VMEM((_SLICE,), jnp.int32),
            pltpu.VMEM((_NS * _L,), jnp.float32),
            pltpu.VMEM((_SWIN,), jnp.float32),
            pltpu.VMEM((_HALF,), jnp.float32),
            pltpu.VMEM_SHARED((_NS * _L,), jnp.float32),
            pltpu.SemaphoreType.DMA,
            pltpu.SemaphoreType.DMA,
        ],
    )
    return fn(values, jnp.asarray(row_ids, jnp.int32))

# --- scband reference (transcript-rebuilt; emitter-appended) ---
"""Pipeline reference for scband-sequence-slice-83494164234740 (READ-ONLY COPY).

The authoritative reference and input builder live on the scoring server;
editing this copy changes nothing except your own understanding.
"""

import jax, jax.numpy as jnp
import numpy as np

BATCH = 16
MAX_LEN = 2048
TOTAL_TOK = 32768


def setup_inputs(seed: int = 0) -> dict:
    key = jax.random.key(seed)
    k1, k2 = jax.random.split(key)
    values = jax.random.normal(k1, (TOTAL_TOK,), dtype=jnp.float32)
    row_ids = jnp.sort(jax.random.randint(k2, (TOTAL_TOK,), 0, BATCH).astype(jnp.int64))
    return {"values": values, "row_ids": row_ids}


def reference(values, row_ids):
    # The original layer takes a tf.SparseTensor [batch, seq] in row-major COO order,
    # slices the column dim to max_len, densifies, and pads to exactly max_len cols.
    # Here the ragged/sparse input is represented as COO: flat `values` plus sorted
    # `row_ids`; the column index of each token is its position within its row.
    N = values.shape[0]
    counts = jnp.bincount(row_ids, length=BATCH)
    starts = jnp.concatenate([jnp.zeros((1,), dtype=counts.dtype), jnp.cumsum(counts)[:-1]])
    col = jnp.arange(N) - starts[row_ids]
    # sparse.slice: keep only entries with col < max_len
    mask = col < MAX_LEN
    col_c = jnp.clip(col, 0, MAX_LEN - 1)
    vals = jnp.where(mask, values, jnp.zeros((), dtype=values.dtype))
    # sparse.to_dense with pad=True -> dense [BATCH, MAX_LEN], zeros elsewhere
    dense = jnp.zeros((BATCH, MAX_LEN), dtype=values.dtype).at[row_ids, col_c].add(vals)
    return dense

if __name__ == "__main__":
    import jax
    _d = setup_inputs()
    print(jax.jit(kernel)(*tuple(_d.values())))

</pallas_src>

<mosaic_0001>
#map = affine_map<(d0, d1) -> (0)>
#map1 = affine_map<(d0, d1) -> (0, 0)>
module attributes {stable_mosaic.version = 14 : i64} {
  func.func @_body(%arg0: i32, %arg1: i32, %arg2: memref<32768xf32, #tpu.memory_space<hbm>>, %arg3: memref<32768xi32, #tpu.memory_space<hbm>>, %arg4: memref<16x2048xf32, #tpu.memory_space<hbm>>, %arg5: memref<2048xi32, #tpu.memory_space<vmem>>, %arg6: memref<256xf32, #tpu.memory_space<vmem>>, %arg7: memref<2048xf32, #tpu.memory_space<vmem>>, %arg8: memref<1024xf32, #tpu.memory_space<vmem>>, %arg9: memref<256xf32, #tpu.memory_space<vmem_shared>>, %arg10: memref<!tpu.dma_semaphore, #tpu.memory_space<semaphore_mem>>, %arg11: memref<!tpu.dma_semaphore, #tpu.memory_space<semaphore_mem>>) attributes {dimension_semantics = [#tpu.dimension_semantics<core_parallel>, #tpu.dimension_semantics<subcore_parallel>], iteration_bounds = array<i64: 2, 16>, scalar_prefetch = 0 : i64, scratch_operands = 7 : i64, tpu.core_type = #tpu.core_type<sc_vector_subcore>, window_params = [{transform_indices = #map}, {transform_indices = #map}, {transform_indices = #map1}]} {
    %mul3A = arith.constant 2048 : i32
    %mul3A_0 = arith.muli %arg1, %mul3A : i32
    %mul3A_1 = arith.constant 1024 : i32
    %mul3A_2 = arith.muli %arg0, %mul3A_1 : i32
    %add3A = arith.addi %mul3A_0, %mul3A_2 : i32
    %sub3A = arith.constant 512 : i32
    %sub3A_3 = arith.subi %add3A, %sub3A : i32
    %max3A = arith.constant 0 : i32
    %max3A_4 = arith.maxsi %sub3A_3, %max3A : i32
    %min3A = arith.constant 30720 : i32
    %min3A_5 = arith.minsi %max3A_4, %min3A : i32
    %multiple_of3A = tpu.assume_multiple %min3A_5, 16 : i32
    %mul3A_6 = arith.constant 2048 : i32
    %mul3A_7 = arith.muli %arg1, %mul3A_6 : i32
    %dma_start3A = tpu.memref_slice %arg3[%mul3A_7] : memref<32768xi32, #tpu.memory_space<hbm>> -> memref<2048xi32, #tpu.memory_space<hbm>>
    %dma_start3A_8 = tpu.memref_slice %arg3[%mul3A_7] : memref<32768xi32, #tpu.memory_space<hbm>> -> memref<2048xi32, #tpu.memory_space<hbm>>
    tpu.enqueue_dma source(%dma_start3A_8 : memref<2048xi32, #tpu.memory_space<hbm>>) target(%arg5 : memref<2048xi32, #tpu.memory_space<vmem>>) target_semaphore(%arg11 : memref<!tpu.dma_semaphore, #tpu.memory_space<semaphore_mem>>)
    %dma_start3A_9 = tpu.memref_slice %arg2[%multiple_of3A] : memref<32768xf32, #tpu.memory_space<hbm>> -> memref<2048xf32, #tpu.memory_space<hbm>>
    %dma_start3A_10 = tpu.memref_slice %arg2[%multiple_of3A] : memref<32768xf32, #tpu.memory_space<hbm>> -> memref<2048xf32, #tpu.memory_space<hbm>>
    tpu.enqueue_dma source(%dma_start3A_10 : memref<2048xf32, #tpu.memory_space<hbm>>) target(%arg7 : memref<2048xf32, #tpu.memory_space<vmem>>) target_semaphore(%arg10 : memref<!tpu.dma_semaphore, #tpu.memory_space<semaphore_mem>>)
    %dma_wait3A = tpu.memref_slice %arg3[%mul3A_7] : memref<32768xi32, #tpu.memory_space<hbm>> -> memref<2048xi32, #tpu.memory_space<hbm>>
    %dma_wait3A_11 = tpu.memref_slice %arg3[%mul3A_7] : memref<32768xi32, #tpu.memory_space<hbm>> -> memref<2048xi32, #tpu.memory_space<hbm>>
    tpu.wait_dma2 semaphore(%arg11 : memref<!tpu.dma_semaphore, #tpu.memory_space<semaphore_mem>>) src(%dma_wait3A_11 : memref<2048xi32, #tpu.memory_space<hbm>>) dst(%arg5 : memref<2048xi32, #tpu.memory_space<vmem>>)
    %iota3A = tpu.iota {dimensions = array<i32: 0>} : vector<16xi32>
    %broadcast_in_dim3A = arith.constant 0 : i32
    %broadcast_in_dim3A_12 = vector.broadcast %broadcast_in_dim3A : i32 to vector<16xi32>
    %broadcast_in_dim3A_13 = arith.constant 2048 : i32
    %broadcast_in_dim3A_14 = vector.broadcast %broadcast_in_dim3A_13 : i32 to vector<16xi32>
    %scan3A = arith.constant 0 : i32
    %scan3A_15 = arith.constant 12 : i32
    %scan3A_16 = arith.addi %scan3A, %scan3A_15 : i32
    %scan3A_17 = arith.constant 1 : i32
    %scan3A_18:2 = scf.for %scan3A_148 = %scan3A to %scan3A_16 step %scan3A_17 iter_args(%scan3A_149 = %broadcast_in_dim3A_12, %scan3A_150 = %broadcast_in_dim3A_14) -> (vector<16xi32>, vector<16xi32>)  : i32 {
      %add3A_151 = arith.addi %scan3A_149, %scan3A_150 : vector<16xi32>
      %jit3A_152 = arith.constant 2 : i32
      %div3A_153 = vector.broadcast %jit3A_152 : i32 to vector<16xi32>
      %div3A_154 = arith.divsi %add3A_151, %div3A_153 : vector<16xi32>
      %sign3A_155 = arith.constant 0 : i32
      %sign3A_156 = vector.broadcast %sign3A_155 : i32 to vector<16xi32>
      %sign3A_157 = arith.cmpi sgt, %add3A_151, %sign3A_156 : vector<16xi32>
      %sign3A_158 = arith.extui %sign3A_157 : vector<16xi1> to vector<16xi32>
      %sign3A_159 = arith.constant 0 : i32
      %sign3A_160 = vector.broadcast %sign3A_159 : i32 to vector<16xi32>
      %sign3A_161 = arith.cmpi slt, %add3A_151, %sign3A_160 : vector<16xi32>
      %sign3A_162 = arith.extui %sign3A_161 : vector<16xi1> to vector<16xi32>
      %sign3A_163 = arith.subi %sign3A_158, %sign3A_162 : vector<16xi32>
      %sign3A_164 = arith.constant 0 : i32
      %sign3A_165 = arith.cmpi sgt, %jit3A_152, %sign3A_164 : i32
      %sign3A_166 = arith.extui %sign3A_165 : i1 to i32
      %sign3A_167 = arith.constant 0 : i32
      %sign3A_168 = arith.cmpi slt, %jit3A_152, %sign3A_167 : i32
      %sign3A_169 = arith.extui %sign3A_168 : i1 to i32
      %sign3A_170 = arith.subi %sign3A_166, %sign3A_169 : i32
      %ne3A_171 = vector.broadcast %sign3A_170 : i32 to vector<16xi32>
      %ne3A_172 = arith.cmpi ne, %sign3A_163, %ne3A_171 : vector<16xi32>
      %rem3A_173 = vector.broadcast %jit3A_152 : i32 to vector<16xi32>
      %rem3A_174 = arith.remsi %add3A_151, %rem3A_173 : vector<16xi32>
      %ne3A_175 = arith.constant 0 : i32
      %ne3A_176 = vector.broadcast %ne3A_175 : i32 to vector<16xi32>
      %ne3A_177 = arith.cmpi ne, %rem3A_174, %ne3A_176 : vector<16xi32>
      %and3A_178 = arith.andi %ne3A_172, %ne3A_177 : vector<16xi1>
      %sub3A_179 = arith.constant 1 : i32
      %sub3A_180 = vector.broadcast %sub3A_179 : i32 to vector<16xi32>
      %sub3A_181 = arith.subi %div3A_154, %sub3A_180 : vector<16xi32>
      %select_n3A_182 = arith.select %and3A_178, %sub3A_181, %div3A_154 : vector<16xi1>, vector<16xi32>
      %min3A_183 = arith.constant 2047 : i32
      %min3A_184 = vector.broadcast %min3A_183 : i32 to vector<16xi32>
      %min3A_185 = arith.minsi %select_n3A_182, %min3A_184 : vector<16xi32>
      %gather3A = tpu.vector_load_idx %arg5[%min3A_185] : memref<2048xi32, #tpu.memory_space<vmem>>[vector<16xi32>], vector<16xi32>,
      %lt3A = arith.cmpi slt, %scan3A_149, %scan3A_150 : vector<16xi32>
      %lt3A_186 = arith.cmpi slt, %gather3A, %iota3A : vector<16xi32>
      %and3A_187 = arith.andi %lt3A_186, %lt3A : vector<16xi1>
      %add3A_188 = arith.constant 1 : i32
      %add3A_189 = vector.broadcast %add3A_188 : i32 to vector<16xi32>
      %add3A_190 = arith.addi %select_n3A_182, %add3A_189 : vector<16xi32>
      %select_n3A_191 = arith.select %and3A_187, %add3A_190, %scan3A_149 : vector<16xi1>, vector<16xi32>
      %not3A_192 = arith.constant dense<true> : vector<16xi1>
      %not3A_193 = arith.xori %and3A_187, %not3A_192 : vector<16xi1>
      %and3A_194 = arith.andi %lt3A, %not3A_193 : vector<16xi1>
      %select_n3A_195 = arith.select %and3A_194, %select_n3A_182, %scan3A_150 : vector<16xi1>, vector<16xi32>
      scf.yield %select_n3A_191, %select_n3A_195 : vector<16xi32>, vector<16xi32>
    }
    %scan3A_19 = arith.constant 12 : i32
    %convert_element_type3A = arith.sitofp %scan3A_18#0 : vector<16xi32> to vector<16xf32>
    %swap3A = arith.constant 0 : index
    %swap3A_20 = tpu.vector_load %arg8[%swap3A] {strides = array<i32>} : memref<1024xf32, #tpu.memory_space<vmem>>, vector<16xf32>,
    tpu.vector_store %arg8[%swap3A], %convert_element_type3A {strides = array<i32>} : memref<1024xf32, #tpu.memory_space<vmem>>, vector<16xf32>,
    %mul3A_21 = arith.constant 16 : i32
    %mul3A_22 = arith.muli %arg1, %mul3A_21 : i32
    "tpu.region"() ({
      %run_scoped3A = tpu.sem_alloc : memref<!tpu.dma_semaphore, #tpu.memory_space<semaphore_mem>>
      %dma_start3A_148 = arith.constant 0 : i32
      %dma_start3A_149 = tpu.memref_slice %arg8[%dma_start3A_148] : memref<1024xf32, #tpu.memory_space<vmem>> -> memref<16xf32, #tpu.memory_space<vmem>>
      %dma_start3A_150 = tpu.memref_slice %arg9[%mul3A_22] : memref<256xf32, #tpu.memory_space<vmem_shared>> -> memref<16xf32, #tpu.memory_space<vmem_shared>>
      %dma_start3A_151 = tpu.memref_slice %arg9[%mul3A_22] : memref<256xf32, #tpu.memory_space<vmem_shared>> -> memref<16xf32, #tpu.memory_space<vmem_shared>>
      %dma_start3A_152 = arith.constant 0 : i32
      %dma_start3A_153 = tpu.memref_slice %arg8[%dma_start3A_152] : memref<1024xf32, #tpu.memory_space<vmem>> -> memref<16xf32, #tpu.memory_space<vmem>>
      tpu.enqueue_dma source(%dma_start3A_153 : memref<16xf32, #tpu.memory_space<vmem>>) target(%dma_start3A_151 : memref<16xf32, #tpu.memory_space<vmem_shared>>) target_semaphore(%run_scoped3A : memref<!tpu.dma_semaphore, #tpu.memory_space<semaphore_mem>>)
      %dma_wait3A_154 = arith.constant 0 : i32
      %dma_wait3A_155 = tpu.memref_slice %arg8[%dma_wait3A_154] : memref<1024xf32, #tpu.memory_space<vmem>> -> memref<16xf32, #tpu.memory_space<vmem>>
      %dma_wait3A_156 = tpu.memref_slice %arg9[%mul3A_22] : memref<256xf32, #tpu.memory_space<vmem_shared>> -> memref<16xf32, #tpu.memory_space<vmem_shared>>
      %dma_wait3A_157 = tpu.memref_slice %arg9[%mul3A_22] : memref<256xf32, #tpu.memory_space<vmem_shared>> -> memref<16xf32, #tpu.memory_space<vmem_shared>>
      %dma_wait3A_158 = arith.constant 0 : i32
      %dma_wait3A_159 = tpu.memref_slice %arg8[%dma_wait3A_158] : memref<1024xf32, #tpu.memory_space<vmem>> -> memref<16xf32, #tpu.memory_space<vmem>>
      tpu.wait_dma2 semaphore(%run_scoped3A : memref<!tpu.dma_semaphore, #tpu.memory_space<semaphore_mem>>) src(%dma_wait3A_159 : memref<16xf32, #tpu.memory_space<vmem>>) dst(%dma_wait3A_157 : memref<16xf32, #tpu.memory_space<vmem_shared>>)
      tpu.yield
    }) : () -> ()
    %barrier3A = arith.constant 0 : index
    tpu.barrier barrier_id(%barrier3A)
    "tpu.region"() ({
      %run_scoped3A = tpu.sem_alloc : memref<!tpu.dma_semaphore, #tpu.memory_space<semaphore_mem>>
      tpu.enqueue_dma source(%arg9 : memref<256xf32, #tpu.memory_space<vmem_shared>>) target(%arg6 : memref<256xf32, #tpu.memory_space<vmem>>) target_semaphore(%run_scoped3A : memref<!tpu.dma_semaphore, #tpu.memory_space<semaphore_mem>>)
      tpu.wait_dma2 semaphore(%run_scoped3A : memref<!tpu.dma_semaphore, #tpu.memory_space<semaphore_mem>>) src(%arg9 : memref<256xf32, #tpu.memory_space<vmem_shared>>) dst(%arg6 : memref<256xf32, #tpu.memory_space<vmem>>)
      tpu.yield
    }) : () -> ()
    %broadcast_in_dim3A_23 = arith.constant 0.000000e+00 : f32
    %broadcast_in_dim3A_24 = vector.broadcast %broadcast_in_dim3A_23 : f32 to vector<16xf32>
    %get3A = arith.constant 0 : index
    %get3A_25 = tpu.vector_load %arg6[%get3A] {strides = array<i32>} : memref<256xf32, #tpu.memory_space<vmem>>, vector<16xf32>,
    %add3A_26 = arith.addf %broadcast_in_dim3A_24, %get3A_25 : vector<16xf32>
    %get3A_27 = arith.constant 16 : index
    %get3A_28 = tpu.vector_load %arg6[%get3A_27] {strides = array<i32>} : memref<256xf32, #tpu.memory_space<vmem>>, vector<16xf32>,
    %add3A_29 = arith.addf %add3A_26, %get3A_28 : vector<16xf32>
    %get3A_30 = arith.constant 32 : index
    %get3A_31 = tpu.vector_load %arg6[%get3A_30] {strides = array<i32>} : memref<256xf32, #tpu.memory_space<vmem>>, vector<16xf32>,
    %add3A_32 = arith.addf %add3A_29, %get3A_31 : vector<16xf32>
    %get3A_33 = arith.constant 48 : index
    %get3A_34 = tpu.vector_load %arg6[%get3A_33] {strides = array<i32>} : memref<256xf32, #tpu.memory_space<vmem>>, vector<16xf32>,
    %add3A_35 = arith.addf %add3A_32, %get3A_34 : vector<16xf32>
    %get3A_36 = arith.constant 64 : index
    %get3A_37 = tpu.vector_load %arg6[%get3A_36] {strides = array<i32>} : memref<256xf32, #tpu.memory_space<vmem>>, vector<16xf32>,
    %add3A_38 = arith.addf %add3A_35, %get3A_37 : vector<16xf32>
    %get3A_39 = arith.constant 80 : index
    %get3A_40 = tpu.vector_load %arg6[%get3A_39] {strides = array<i32>} : memref<256xf32, #tpu.memory_space<vmem>>, vector<16xf32>,
    %add3A_41 = arith.addf %add3A_38, %get3A_40 : vector<16xf32>
    %get3A_42 = arith.constant 96 : index
    %get3A_43 = tpu.vector_load %arg6[%get3A_42] {strides = array<i32>} : memref<256xf32, #tpu.memory_space<vmem>>, vector<16xf32>,
    %add3A_44 = arith.addf %add3A_41, %get3A_43 : vector<16xf32>
    %get3A_45 = arith.constant 112 : index
    %get3A_46 = tpu.vector_load %arg6[%get3A_45] {strides = array<i32>} : memref<256xf32, #tpu.memory_space<vmem>>, vector<16xf32>,
    %add3A_47 = arith.addf %add3A_44, %get3A_46 : vector<16xf32>
    %get3A_48 = arith.constant 128 : index
    %get3A_49 = tpu.vector_load %arg6[%get3A_48] {strides = array<i32>} : memref<256xf32, #tpu.memory_space<vmem>>, vector<16xf32>,
    %add3A_50 = arith.addf %add3A_47, %get3A_49 : vector<16xf32>
    %get3A_51 = arith.constant 144 : index
    %get3A_52 = tpu.vector_load %arg6[%get3A_51] {strides = array<i32>} : memref<256xf32, #tpu.memory_space<vmem>>, vector<16xf32>,
    %add3A_53 = arith.addf %add3A_50, %get3A_52 : vector<16xf32>
    %get3A_54 = arith.constant 160 : index
    %get3A_55 = tpu.vector_load %arg6[%get3A_54] {strides = array<i32>} : memref<256xf32, #tpu.memory_space<vmem>>, vector<16xf32>,
    %add3A_56 = arith.addf %add3A_53, %get3A_55 : vector<16xf32>
    %get3A_57 = arith.constant 176 : index
    %get3A_58 = tpu.vector_load %arg6[%get3A_57] {strides = array<i32>} : memref<256xf32, #tpu.memory_space<vmem>>, vector<16xf32>,
    %add3A_59 = arith.addf %add3A_56, %get3A_58 : vector<16xf32>
    %get3A_60 = arith.constant 192 : index
    %get3A_61 = tpu.vector_load %arg6[%get3A_60] {strides = array<i32>} : memref<256xf32, #tpu.memory_space<vmem>>, vector<16xf32>,
    %add3A_62 = arith.addf %add3A_59, %get3A_61 : vector<16xf32>
    %get3A_63 = arith.constant 208 : index
    %get3A_64 = tpu.vector_load %arg6[%get3A_63] {strides = array<i32>} : memref<256xf32, #tpu.memory_space<vmem>>, vector<16xf32>,
    %add3A_65 = arith.addf %add3A_62, %get3A_64 : vector<16xf32>
    %get3A_66 = arith.constant 224 : index
    %get3A_67 = tpu.vector_load %arg6[%get3A_66] {strides = array<i32>} : memref<256xf32, #tpu.memory_space<vmem>>, vector<16xf32>,
    %add3A_68 = arith.addf %add3A_65, %get3A_67 : vector<16xf32>
    %get3A_69 = arith.constant 240 : index
    %get3A_70 = tpu.vector_load %arg6[%get3A_69] {strides = array<i32>} : memref<256xf32, #tpu.memory_space<vmem>>, vector<16xf32>,
    %add3A_71 = arith.addf %add3A_68, %get3A_70 : vector<16xf32>
    %convert_element_type3A_72 = arith.fptosi %add3A_71 : vector<16xf32> to vector<16xi32>
    %eq3A = vector.broadcast %arg1 : i32 to vector<16xi32>
    %eq3A_73 = arith.cmpi eq, %iota3A, %eq3A : vector<16xi32>
    %jit3A = arith.constant 0 : i32
    %broadcast_in_dim3A_74 = vector.broadcast %jit3A : i32 to vector<16xi32>
    %select_n3A = arith.select %eq3A_73, %convert_element_type3A_72, %broadcast_in_dim3A_74 : vector<16xi1>, vector<16xi32>
    %reduce_sum3A = arith.constant true
    %reduce_sum3A_75 = vector.broadcast %reduce_sum3A : i1 to vector<16xi1>
    %reduce_sum3A_76 = tpu.scan <sum>, %select_n3A masked %reduce_sum3A_75 : vector<16xi32>, vector<16xi1> -> vector<16xi32>
    %reduce_sum3A_77 = vector.extract %reduce_sum3A_76[15] : i32 from vector<16xi32>
    %eq3A_78 = arith.constant 15 : i32
    %eq3A_79 = arith.cmpi eq, %arg1, %eq3A_78 : i32
    %add3A_80 = arith.constant 1 : i32
    %add3A_81 = arith.addi %arg1, %add3A_80 : i32
    %eq3A_82 = vector.broadcast %add3A_81 : i32 to vector<16xi32>
    %eq3A_83 = arith.cmpi eq, %iota3A, %eq3A_82 : vector<16xi32>
    %jit3A_84 = arith.constant 0 : i32
    %broadcast_in_dim3A_85 = vector.broadcast %jit3A_84 : i32 to vector<16xi32>
    %select_n3A_86 = arith.select %eq3A_83, %convert_element_type3A_72, %broadcast_in_dim3A_85 : vector<16xi1>, vector<16xi32>
    %reduce_sum3A_87 = arith.constant true
    %reduce_sum3A_88 = vector.broadcast %reduce_sum3A_87 : i1 to vector<16xi1>
    %reduce_sum3A_89 = tpu.scan <sum>, %select_n3A_86 masked %reduce_sum3A_88 : vector<16xi32>, vector<16xi1> -> vector<16xi32>
    %reduce_sum3A_90 = vector.extract %reduce_sum3A_89[15] : i32 from vector<16xi32>
    %jit3A_91 = arith.constant 32768 : i32
    %select_n3A_92 = arith.select %eq3A_79, %jit3A_91, %reduce_sum3A_90 : i32
    %mul3A_93 = arith.constant 1024 : i32
    %mul3A_94 = arith.muli %arg0, %mul3A_93 : i32
    %add3A_95 = arith.addi %reduce_sum3A_77, %mul3A_94 : i32
    %dma_wait3A_96 = tpu.memref_slice %arg2[%multiple_of3A] : memref<32768xf32, #tpu.memory_space<hbm>> -> memref<2048xf32, #tpu.memory_space<hbm>>
    %dma_wait3A_97 = tpu.memref_slice %arg2[%multiple_of3A] : memref<32768xf32, #tpu.memory_space<hbm>> -> memref<2048xf32, #tpu.memory_space<hbm>>
    tpu.wait_dma2 semaphore(%arg10 : memref<!tpu.dma_semaphore, #tpu.memory_space<semaphore_mem>>) src(%dma_wait3A_97 : memref<2048xf32, #tpu.memory_space<hbm>>) dst(%arg7 : memref<2048xf32, #tpu.memory_space<vmem>>)
    %ge3A = arith.cmpi sge, %add3A_95, %multiple_of3A : i32
    %add3A_98 = arith.constant 1024 : i32
    %add3A_99 = arith.addi %add3A_95, %add3A_98 : i32
    %add3A_100 = arith.constant 2048 : i32
    %add3A_101 = arith.addi %multiple_of3A, %add3A_100 : i32
    %le3A = arith.cmpi sle, %add3A_99, %add3A_101 : i32
    %and3A = arith.andi %ge3A, %le3A : i1
    %jit3A_102 = arith.constant 16 : i32
    %div3A = arith.divsi %add3A_95, %jit3A_102 : i32
    %sign3A = arith.constant 0 : i32
    %sign3A_103 = arith.cmpi sgt, %add3A_95, %sign3A : i32
    %sign3A_104 = arith.extui %sign3A_103 : i1 to i32
    %sign3A_105 = arith.constant 0 : i32
    %sign3A_106 = arith.cmpi slt, %add3A_95, %sign3A_105 : i32
    %sign3A_107 = arith.extui %sign3A_106 : i1 to i32
    %sign3A_108 = arith.subi %sign3A_104, %sign3A_107 : i32
    %sign3A_109 = arith.constant 0 : i32
    %sign3A_110 = arith.cmpi sgt, %jit3A_102, %sign3A_109 : i32
    %sign3A_111 = arith.extui %sign3A_110 : i1 to i32
    %sign3A_112 = arith.constant 0 : i32
    %sign3A_113 = arith.cmpi slt, %jit3A_102, %sign3A_112 : i32
    %sign3A_114 = arith.extui %sign3A_113 : i1 to i32
    %sign3A_115 = arith.subi %sign3A_111, %sign3A_114 : i32
    %ne3A = arith.cmpi ne, %sign3A_108, %sign3A_115 : i32
    %rem3A = arith.remsi %add3A_95, %jit3A_102 : i32
    %ne3A_116 = arith.constant 0 : i32
    %ne3A_117 = arith.cmpi ne, %rem3A, %ne3A_116 : i32
    %and3A_118 = arith.andi %ne3A, %ne3A_117 : i1
    %sub3A_119 = arith.constant 1 : i32
    %sub3A_120 = arith.subi %div3A, %sub3A_119 : i32
    %select_n3A_121 = arith.select %and3A_118, %sub3A_120, %div3A : i32
    %mul3A_122 = arith.constant 16 : i32
    %mul3A_123 = arith.muli %select_n3A_121, %mul3A_122 : i32
    %min3A_124 = arith.constant 30720 : i32
    %min3A_125 = arith.minsi %mul3A_123, %min3A_124 : i32
    %max3A_126 = arith.constant 0 : i32
    %max3A_127 = arith.maxsi %min3A_125, %max3A_126 : i32
    %multiple_of3A_128 = tpu.assume_multiple %max3A_127, 16 : i32
    %not3A = arith.constant true
    %not3A_129 = arith.xori %and3A, %not3A : i1
    %convert_element_type3A_130 = arith.extui %not3A_129 : i1 to i32
    %cond3A = arith.constant 0 : i32
    %cond3A_131 = arith.cmpi ne, %convert_element_type3A_130, %cond3A : i32
    scf.if %cond3A_131 {
      "tpu.region"() ({
        %run_scoped3A = tpu.sem_alloc : memref<!tpu.dma_semaphore, #tpu.memory_space<semaphore_mem>>
        %dma_start3A_148 = tpu.memref_slice %arg2[%multiple_of3A_128] : memref<32768xf32, #tpu.memory_space<hbm>> -> memref<2048xf32, #tpu.memory_space<hbm>>
        %dma_start3A_149 = tpu.memref_slice %arg2[%multiple_of3A_128] : memref<32768xf32, #tpu.memory_space<hbm>> -> memref<2048xf32, #tpu.memory_space<hbm>>
        tpu.enqueue_dma source(%dma_start3A_149 : memref<2048xf32, #tpu.memory_space<hbm>>) target(%arg7 : memref<2048xf32, #tpu.memory_space<vmem>>) target_semaphore(%run_scoped3A : memref<!tpu.dma_semaphore, #tpu.memory_space<semaphore_mem>>)
        %dma_wait3A_150 = tpu.memref_slice %arg2[%multiple_of3A_128] : memref<32768xf32, #tpu.memory_space<hbm>> -> memref<2048xf32, #tpu.memory_space<hbm>>
        %dma_wait3A_151 = tpu.memref_slice %arg2[%multiple_of3A_128] : memref<32768xf32, #tpu.memory_space<hbm>> -> memref<2048xf32, #tpu.memory_space<hbm>>
        tpu.wait_dma2 semaphore(%run_scoped3A : memref<!tpu.dma_semaphore, #tpu.memory_space<semaphore_mem>>) src(%dma_wait3A_151 : memref<2048xf32, #tpu.memory_space<hbm>>) dst(%arg7 : memref<2048xf32, #tpu.memory_space<vmem>>)
        tpu.yield
      }) : () -> ()
    } else {
    }
    %select_n3A_132 = arith.select %and3A, %multiple_of3A, %multiple_of3A_128 : i32
    %sub3A_133 = arith.subi %add3A_95, %select_n3A_132 : i32
    %sub3A_134 = arith.subi %select_n3A_92, %add3A_95 : i32
    %sub3A_135 = vector.broadcast %sub3A_134 : i32 to vector<16xi32>
    %sub3A_136 = arith.subi %sub3A_135, %iota3A : vector<16xi32>
    %add3A_137 = vector.broadcast %sub3A_133 : i32 to vector<16xi32>
    %add3A_138 = arith.addi %add3A_137, %iota3A : vector<16xi32>
    %scan3A_139 = arith.constant 0 : i32
    %scan3A_140 = arith.constant 0 : i32
    %scan3A_141 = arith.constant 64 : i32
    %scan3A_142 = arith.addi %scan3A_140, %scan3A_141 : i32
    %scan3A_143 = arith.constant 4 : i32
    %scan3A_144 = scf.for %scan3A_148 = %scan3A_140 to %scan3A_142 step %scan3A_143 iter_args(%scan3A_149 = %scan3A_139) -> (i32)  : i32 {
      %mul3A_150 = arith.constant 16 : i32
      %mul3A_151 = arith.muli %scan3A_148, %mul3A_150 : i32
      %lt3A = vector.broadcast %mul3A_151 : i32 to vector<16xi32>
      %lt3A_152 = arith.cmpi slt, %lt3A, %sub3A_136 : vector<16xi32>
      %mul3A_153 = arith.constant 16 : i32
      %mul3A_154 = arith.muli %scan3A_148, %mul3A_153 : i32
      %add3A_155 = vector.broadcast %mul3A_154 : i32 to vector<16xi32>
      %add3A_156 = arith.addi %add3A_138, %add3A_155 : vector<16xi32>
      %min3A_157 = arith.constant 2047 : i32
      %min3A_158 = vector.broadcast %min3A_157 : i32 to vector<16xi32>
      %min3A_159 = arith.minsi %add3A_156, %min3A_158 : vector<16xi32>
      %gather3A = tpu.vector_load_idx %arg7[%min3A_159] : memref<2048xf32, #tpu.memory_space<vmem>>[vector<16xi32>], vector<16xf32>,
      %jit3A_160 = arith.constant 0.000000e+00 : f32
      %broadcast_in_dim3A_161 = vector.broadcast %jit3A_160 : f32 to vector<16xf32>
      %select_n3A_162 = arith.select %lt3A_152, %gather3A, %broadcast_in_dim3A_161 : vector<16xi1>, vector<16xf32>
      %mul3A_163 = arith.constant 16 : i32
      %mul3A_164 = arith.muli %scan3A_148, %mul3A_163 : i32
      %swap3A_165 = arith.index_cast %mul3A_164 : i32 to index
      %swap3A_166 = tpu.vector_load %arg8[%swap3A_165] {strides = array<i32>} : memref<1024xf32, #tpu.memory_space<vmem>>, vector<16xf32>,
      tpu.vector_store %arg8[%swap3A_165], %select_n3A_162 {strides = array<i32>} : memref<1024xf32, #tpu.memory_space<vmem>>, vector<16xf32>,
      %scan3A_167 = arith.constant 0 : i32
      %scan3A_168 = arith.constant 1 : i32
      %scan3A_169 = arith.addi %scan3A_148, %scan3A_168 : i32
      %mul3A_170 = arith.constant 16 : i32
      %mul3A_171 = arith.muli %scan3A_169, %mul3A_170 : i32
      %lt3A_172 = vector.broadcast %mul3A_171 : i32 to vector<16xi32>
      %lt3A_173 = arith.cmpi slt, %lt3A_172, %sub3A_136 : vector<16xi32>
      %mul3A_174 = arith.constant 16 : i32
      %mul3A_175 = arith.muli %scan3A_169, %mul3A_174 : i32
      %add3A_176 = vector.broadcast %mul3A_175 : i32 to vector<16xi32>
      %add3A_177 = arith.addi %add3A_138, %add3A_176 : vector<16xi32>
      %min3A_178 = arith.constant 2047 : i32
      %min3A_179 = vector.broadcast %min3A_178 : i32 to vector<16xi32>
      %min3A_180 = arith.minsi %add3A_177, %min3A_179 : vector<16xi32>
      %gather3A_181 = tpu.vector_load_idx %arg7[%min3A_180] : memref<2048xf32, #tpu.memory_space<vmem>>[vector<16xi32>], vector<16xf32>,
      %jit3A_182 = arith.constant 0.000000e+00 : f32
      %broadcast_in_dim3A_183 = vector.broadcast %jit3A_182 : f32 to vector<16xf32>
      %select_n3A_184 = arith.select %lt3A_173, %gather3A_181, %broadcast_in_dim3A_183 : vector<16xi1>, vector<16xf32>
      %mul3A_185 = arith.constant 16 : i32
      %mul3A_186 = arith.muli %scan3A_169, %mul3A_185 : i32
      %swap3A_187 = arith.index_cast %mul3A_186 : i32 to index
      %swap3A_188 = tpu.vector_load %arg8[%swap3A_187] {strides = array<i32>} : memref<1024xf32, #tpu.memory_space<vmem>>, vector<16xf32>,
      tpu.vector_store %arg8[%swap3A_187], %select_n3A_184 {strides = array<i32>} : memref<1024xf32, #tpu.memory_space<vmem>>, vector<16xf32>,
      %scan3A_189 = arith.constant 0 : i32
      %scan3A_190 = arith.constant 2 : i32
      %scan3A_191 = arith.addi %scan3A_148, %scan3A_190 : i32
      %mul3A_192 = arith.constant 16 : i32
      %mul3A_193 = arith.muli %scan3A_191, %mul3A_192 : i32
      %lt3A_194 = vector.broadcast %mul3A_193 : i32 to vector<16xi32>
      %lt3A_195 = arith.cmpi slt, %lt3A_194, %sub3A_136 : vector<16xi32>
      %mul3A_196 = arith.constant 16 : i32
      %mul3A_197 = arith.muli %scan3A_191, %mul3A_196 : i32
      %add3A_198 = vector.broadcast %mul3A_197 : i32 to vector<16xi32>
      %add3A_199 = arith.addi %add3A_138, %add3A_198 : vector<16xi32>
      %min3A_200 = arith.constant 2047 : i32
      %min3A_201 = vector.broadcast %min3A_200 : i32 to vector<16xi32>
      %min3A_202 = arith.minsi %add3A_199, %min3A_201 : vector<16xi32>
      %gather3A_203 = tpu.vector_load_idx %arg7[%min3A_202] : memref<2048xf32, #tpu.memory_space<vmem>>[vector<16xi32>], vector<16xf32>,
      %jit3A_204 = arith.constant 0.000000e+00 : f32
      %broadcast_in_dim3A_205 = vector.broadcast %jit3A_204 : f32 to vector<16xf32>
      %select_n3A_206 = arith.select %lt3A_195, %gather3A_203, %broadcast_in_dim3A_205 : vector<16xi1>, vector<16xf32>
      %mul3A_207 = arith.constant 16 : i32
      %mul3A_208 = arith.muli %scan3A_191, %mul3A_207 : i32
      %swap3A_209 = arith.index_cast %mul3A_208 : i32 to index
      %swap3A_210 = tpu.vector_load %arg8[%swap3A_209] {strides = array<i32>} : memref<1024xf32, #tpu.memory_space<vmem>>, vector<16xf32>,
      tpu.vector_store %arg8[%swap3A_209], %select_n3A_206 {strides = array<i32>} : memref<1024xf32, #tpu.memory_space<vmem>>, vector<16xf32>,
      %scan3A_211 = arith.constant 0 : i32
      %scan3A_212 = arith.constant 3 : i32
      %scan3A_213 = arith.addi %scan3A_148, %scan3A_212 : i32
      %mul3A_214 = arith.constant 16 : i32
      %mul3A_215 = arith.muli %scan3A_213, %mul3A_214 : i32
      %lt3A_216 = vector.broadcast %mul3A_215 : i32 to vector<16xi32>
      %lt3A_217 = arith.cmpi slt, %lt3A_216, %sub3A_136 : vector<16xi32>
      %mul3A_218 = arith.constant 16 : i32
      %mul3A_219 = arith.muli %scan3A_213, %mul3A_218 : i32
      %add3A_220 = vector.broadcast %mul3A_219 : i32 to vector<16xi32>
      %add3A_221 = arith.addi %add3A_138, %add3A_220 : vector<16xi32>
      %min3A_222 = arith.constant 2047 : i32
      %min3A_223 = vector.broadcast %min3A_222 : i32 to vector<16xi32>
      %min3A_224 = arith.minsi %add3A_221, %min3A_223 : vector<16xi32>
      %gather3A_225 = tpu.vector_load_idx %arg7[%min3A_224] : memref<2048xf32, #tpu.memory_space<vmem>>[vector<16xi32>], vector<16xf32>,
      %jit3A_226 = arith.constant 0.000000e+00 : f32
      %broadcast_in_dim3A_227 = vector.broadcast %jit3A_226 : f32 to vector<16xf32>
      %select_n3A_228 = arith.select %lt3A_217, %gather3A_225, %broadcast_in_dim3A_227 : vector<16xi1>, vector<16xf32>
      %mul3A_229 = arith.constant 16 : i32
      %mul3A_230 = arith.muli %scan3A_213, %mul3A_229 : i32
      %swap3A_231 = arith.index_cast %mul3A_230 : i32 to index
      %swap3A_232 = tpu.vector_load %arg8[%swap3A_231] {strides = array<i32>} : memref<1024xf32, #tpu.memory_space<vmem>>, vector<16xf32>,
      tpu.vector_store %arg8[%swap3A_231], %select_n3A_228 {strides = array<i32>} : memref<1024xf32, #tpu.memory_space<vmem>>, vector<16xf32>,
      %scan3A_233 = arith.constant 0 : i32
      scf.yield %scan3A_233 : i32
    }
    %scan3A_145 = arith.constant 64 : i32
    %mul3A_146 = arith.constant 1024 : i32
    %mul3A_147 = arith.muli %arg0, %mul3A_146 : i32
    "tpu.region"() ({
      %run_scoped3A = tpu.sem_alloc : memref<!tpu.dma_semaphore, #tpu.memory_space<semaphore_mem>>
      %dma_start3A_148 = tpu.memref_slice %arg4[%arg1, %mul3A_147] : memref<16x2048xf32, #tpu.memory_space<hbm>> -> memref<1x1024xf32, #tpu.memory_space<hbm>>
      %dma_start3A_149 = tpu.memref_squeeze %dma_start3A_148 : memref<1x1024xf32, #tpu.memory_space<hbm>> -> memref<1024xf32, #tpu.memory_space<hbm>>
      %dma_start3A_150 = tpu.memref_slice %arg4[%arg1, %mul3A_147] : memref<16x2048xf32, #tpu.memory_space<hbm>> -> memref<1x1024xf32, #tpu.memory_space<hbm>>
      %dma_start3A_151 = tpu.memref_squeeze %dma_start3A_150 : memref<1x1024xf32, #tpu.memory_space<hbm>> -> memref<1024xf32, #tpu.memory_space<hbm>>
      tpu.enqueue_dma source(%arg8 : memref<1024xf32, #tpu.memory_space<vmem>>) target(%dma_start3A_151 : memref<1024xf32, #tpu.memory_space<hbm>>) target_semaphore(%run_scoped3A : memref<!tpu.dma_semaphore, #tpu.memory_space<semaphore_mem>>)
      %dma_wait3A_152 = tpu.memref_slice %arg4[%arg1, %mul3A_147] : memref<16x2048xf32, #tpu.memory_space<hbm>> -> memref<1x1024xf32, #tpu.memory_space<hbm>>
      %dma_wait3A_153 = tpu.memref_squeeze %dma_wait3A_152 : memref<1x1024xf32, #tpu.memory_space<hbm>> -> memref<1024xf32, #tpu.memory_space<hbm>>
      %dma_wait3A_154 = tpu.memref_slice %arg4[%arg1, %mul3A_147] : memref<16x2048xf32, #tpu.memory_space<hbm>> -> memref<1x1024xf32, #tpu.memory_space<hbm>>
      %dma_wait3A_155 = tpu.memref_squeeze %dma_wait3A_154 : memref<1x1024xf32, #tpu.memory_space<hbm>> -> memref<1024xf32, #tpu.memory_space<hbm>>
      tpu.wait_dma2 semaphore(%run_scoped3A : memref<!tpu.dma_semaphore, #tpu.memory_space<semaphore_mem>>) src(%arg8 : memref<1024xf32, #tpu.memory_space<vmem>>) dst(%dma_wait3A_155 : memref<1024xf32, #tpu.memory_space<hbm>>)
      tpu.yield
    }) : () -> ()
    return
  }
}

</mosaic_0001>

<sc_bundles>
// kernel: kernel.3.cloned.1.call-start
scs
__scs_entry_jumppad:
0x0: {  	(pc) =	sbr.rel $0x88, $3  }
0x1: {  	(tag) =	ssettag $0x0;
	lr =	simm.s32 $0x1  }
0x2: {  	[smem:$0x3F9F] =	sst lr;
	_ =	strace $0xD0000000  }
0x3: {  	_ = 	snop  }
0x4: {  	_ = 	snop  }
0x5: {  	_ = 	snop  }
0x6: {  	_ = 	snop  }
0x7: {  	_ = 	snop  }
__scs_overlays_trampoline_lowered:
0x8: {  	[smem:$0x3FAE] =	sst s0  }
0x9: {  	[smem:$0x3FAF] =	sst s1  }
0xa: {  	[smem:$0x3FB0] =	sst s2  }
0xb: {  	[smem:$0x3FB1] =	sst s3  }
0xc: {  	[smem:$0x3FB2] =	sst s4  }
0xd: {  	[smem:$0x3FB3] =	sst s5  }
0xe: {  	[smem:$0x3FB4] =	sst s6  }
0xf: {  	[smem:$0x3FB5] =	sst s7  }
0x10: {  	[smem:$0x3FB6] =	sst s8  }
0x11: {  	[smem:$0x3FB7] =	sst s9;
	s0 =	simm.s32 @!p0 $0x0  }
0x12: {  	s1 =	sld [smem:$0x3F9D];
	s0 =	simm.s32 @p0 $0x1  }
0x13: {  	[smem:$0x3FB8] =	sst s0;
	s0 =	simm.s32 @!p1 $0x0  }
0x14: {  	s2 =	sld [smem:$0x3F9C];
	s0 =	simm.s32 @p1 $0x1  }
0x15: {  	[smem:$0x3FB9] =	sst s0;
	s0 =	simm.s32 @!p2 $0x0  }
0x16: {  	s3 =	sld [smem:$0x3FDB];
	s0 =	simm.s32 @p2 $0x1  }
0x17: {  	s4 =	simm.s32 $0x1BF5;
	[smem:$0x3FBB] =	sst s0  }
0x18: {  	s0 =	sld [smem:$0x3F9E];
	_ =	swait.ge [sflag:s4], $0x0  }
0x19: {  	s7 =	sld [smem:$0x3F9F]  }
0x1a: {  	s8 =	sadd.s32 $0xFFFFE003, lr  }
0x1b: {  	s9 =	sadd.s32 $0xFFFFFEF7, lr;
	s5 =	simm.s32 $0xFFFFFFFF;
	p2 =	slt.u32 s8, $0xFFFFF086  }
0x1c: {  	p1 =	slt.u32 s9, $0xF7A;
	s5 =	simm.s32 @!p2 $0x0  }
0x1d: {  	s5 =	simm.s32 @p1 $0x1;
	p0 =	seq.s32 s7, s2  }
0x1e: {  	s7 =	smul.u32 @!p0 $0xF7A, s2;
	p2 =	seq.s32 @!p0 s5, $0x0  }
0x1f: {  	s9 =	smul.u32 $0xF7A, s1;
	s8 =	simm.s32 @!p0 $0x1BF5;
	p2 =	por !p2, p0  }
0x20: {  	[sflag:s8] =	ssyncset.s32 @!p0 $0xFFFFF086;
	s6 =	sadd.s32 @!p0 s3, s7;
	s7 =	simm.s32 @!p0 $0x108  }
0x21: {  	s3 =	sadd.s32 s3, s9;
	s6 =	sadd.s32 @!p0 $0x88, s6;
	s7 =	simm.s32 @p2 $0x1082  }
0x22: {  	[simem:s7], [sflag:s8] =	dma.local @!p0 [hbm:s6], $0xF7A  }
0x23: {  	s9 =	sor.u32 $0xD0000000, s2;
	s6 =	simm.s32 $0x108;
	_ =	swait.ge @!p0 [sflag:s8], $0x0  }
0x24: {  	s3 =	sadd.s32 $0x88, s3;
	s6 =	simm.s32 @!p1 $0x1082;
	[sflag:s4] =	ssyncset.s32 $0xFFFFF086  }
0x25: {  	[simem:s6], [sflag:s4] =	dma.local [hbm:s3], $0xF7A  }
0x26: {  	[smem:$0x3F9F] =	sst s1;
	(tag) =	ssettag s2;
	_ =	strace s9  }
0x27: {  	s1 =	sld [smem:$0x3FAF]  }
0x28: {  	s2 =	sld [smem:$0x3FB0]  }
0x29: {  	s4 =	sld [smem:$0x3FB2]  }
0x2a: {  	p0 =	seq.s32 s5, $0x0;
	s5 =	sld [smem:$0x3FB3]  }
0x2b: {  	s6 =	sld [smem:$0x3FB4]  }
0x2c: {  	s7 =	sld [smem:$0x3FB5]  }
0x2d: {  	s3 =	simm.s32 $0x108;
	s8 =	sld [smem:$0x3FB6]  }
0x2e: {  	s3 =	simm.s32 @!p0 $0x1082;
	s9 =	sld [smem:$0x3FB7]  }
0x2f: {  	lr =	sadd.s32 s0, s3;
	s0 =	sld [smem:$0x3FAE]  }
0x30: {  	s3 =	sld [smem:$0x3FB1]  }
0x31: {  	[smem:$0x3FBA] =	sst s10  }
0x32: {  	s10 =	sld [smem:$0x3FB8];
	_ =	sdelay $0x3  }
0x33: {  	p0 =	seq.s32 s10, $0x1;
	s10 =	sld [smem:$0x3FBA];
	_ =	sdelay $0x3  }
0x34: {  	[smem:$0x3FBA] =	sst s10  }
0x35: {  	s10 =	sld [smem:$0x3FB9];
	_ =	sdelay $0x3  }
0x36: {  	p1 =	seq.s32 s10, $0x1;
	s10 =	sld [smem:$0x3FBA];
	_ =	sdelay $0x3  }
0x37: {  	[smem:$0x3FBA] =	sst s10  }
0x38: {  	s10 =	sld [smem:$0x3FBB]  }
0x39: {  	_ = 	snop;
	(pc) =	sbr.ind lr, $3  }
0x3a: {  	_ = 	snop  }
0x3b: {  	_ = 	snop  }
0x3c: {  	p2 =	seq.s32 s10, $0x1;
	s10 =	sld [smem:$0x3FBA]  }
0x3d: {  	_ =	shalt  }
0x3e: {  	_ =	shalt  }
0x3f: {  	_ =	shalt  }
0x40: {  	_ =	shalt  }
0x41: {  	_ =	shalt  }
0x42: {  	_ =	shalt  }
0x43: {  	_ =	shalt  }
0x44: {  	_ =	shalt  }
0x45: {  	_ =	shalt  }
0x46: {  	_ =	shalt  }
0x47: {  	_ =	shalt  }
0x48: {  	_ =	shalt  }
0x49: {  	_ =	shalt  }
0x4a: {  	_ =	shalt  }
0x4b: {  	_ =	shalt  }
0x4c: {  	_ =	shalt  }
0x4d: {  	_ =	shalt  }
0x4e: {  	_ =	shalt  }
0x4f: {  	_ =	shalt  }
0x50: {  	_ =	shalt  }
0x51: {  	_ =	shalt  }
0x52: {  	_ =	shalt  }
0x53: {  	_ =	shalt  }
0x54: {  	_ =	shalt  }
0x55: {  	_ =	shalt  }
0x56: {  	_ =	shalt  }
0x57: {  	_ =	shalt  }
0x58: {  	_ =	shalt  }
0x59: {  	_ =	shalt  }
0x5a: {  	_ =	shalt  }
0x5b: {  	_ =	shalt  }
0x5c: {  	_ =	shalt  }
0x5d: {  	_ =	shalt  }
0x5e: {  	_ =	shalt  }
0x5f: {  	_ =	shalt  }
0x60: {  	_ =	shalt  }
0x61: {  	_ =	shalt  }
0x62: {  	_ =	shalt  }
0x63: {  	_ =	shalt  }
0x64: {  	_ =	shalt  }
0x65: {  	_ =	shalt  }
0x66: {  	_ =	shalt  }
0x67: {  	_ =	shalt  }
0x68: {  	_ =	shalt  }
0x69: {  	_ =	shalt  }
0x6a: {  	_ =	shalt  }
0x6b: {  	_ =	shalt  }
0x6c: {  	_ =	shalt  }
0x6d: {  	_ =	shalt  }
0x6e: {  	_ =	shalt  }
0x6f: {  	_ =	shalt  }
0x70: {  	_ =	shalt  }
0x71: {  	_ =	shalt  }
0x72: {  	_ =	shalt  }
0x73: {  	_ =	shalt  }
0x74: {  	_ =	shalt  }
0x75: {  	_ =	shalt  }
0x76: {  	_ =	shalt  }
0x77: {  	_ =	shalt  }
0x78: {  	_ =	shalt  }
0x79: {  	_ =	shalt  }
0x7a: {  	_ =	shalt  }
0x7b: {  	_ =	shalt  }
0x7c: {  	_ =	shalt  }
0x7d: {  	_ =	shalt  }
0x7e: {  	_ =	shalt  }
0x7f: {  	_ =	shalt  }
0x80: {  	_ =	shalt  }
0x81: {  	_ =	shalt  }
0x82: {  	_ =	shalt  }
0x83: {  	_ =	shalt  }
0x84: {  	_ =	shalt  }
0x85: {  	_ =	shalt  }
0x86: {  	_ =	shalt  }
0x87: {  	_ =	shalt  }
.Lfunc_end0:
.L_simem_size_0:
called_computation_lowered:
.L_overlay_start_0:
0x88: {  	s2 =	sld [smem:$0x3FD9]  }
0x89: {  	s3 =	sld [smem:$0x3FFE];
	_ =	sdelay $0x1  }
0x8a: {  	s1 =	srdreg.scid  }
0x8b: {  	s0 =	sand.u32 $0x1, s1  }
0x8c: {  	s18 =	sshll.u32 s0, $0xA;
	s2 =	sadd.s32 s3, s2  }
0x8d: {  	s2 =	sadd.s32 s2, s18  }
0x8e: {  	[smem:$0x3FC6] =	sst s2  }
0x8f: {  	_ = 	snop  }
0x90: {  	s2 =	sld [smem:$0x3FC9]  }
0x91: {  	s19 =	sld [smem:$0x3FC8]  }
0x92: {  	s4 =	sld [smem:$0x3FD0];
	(tm) =	ssettm $0x1  }
0x93: {  	s5 =	sld [smem:$0x3FFB];
	_ =	sdelay $0x3  }
0x94: {  	_ =	strace s5  }
0x95: {  	s5 =	sld [smem:$0x3FFC];
	_ =	sdelay $0x3  }
0x96: {  	_ =	strace s5  }
0x97: {  	s5 =	sld [smem:$0x3FFD];
	_ =	sdelay $0x3  }
0x98: {  	_ =	strace s5  }
0x99: {  	_ =	strace $0x8FFFFFFF  }
0x9a: {  	s20 =	sld [smem:$0x3FDB];
	_ =	sdelay $0x1  }
0x9b: {  	s6 =	simm.s32 $_scs_section_size  }
0x9c: {  	s7 =	simm.s32 $_size__tile_overlayer_lowered;
	s8 =	simm.s32 $_tile_overlayer_lowered  }
0x9d: {  	s23 =	simm.s32 $0x1BFF;
	s22 =	sshll.u32 s8, $0x1;
	s5 =	sadd.s32 s6, s20  }
0x9e: {  	s9 =	simm.s32 $0x0;
	s21 =	sshll.u32 s7, $0x1;
	s7 =	sadd.s32 s22, s5  }
0x9f: {  	[timem:s9], [sflag:s23] =	dma.local [hbm:s7], s21  }
0xa0: {  	_ =	swait.ge [sflag:s23], s21  }
0xa1: {  	s6 =	ssub.s32 $0x0, s21;
	[sflag:s23] =	ssyncset.done $0x0  }
0xa2: {  	[sflag:s23] =	ssyncadd.s32 s6;
	_ =	sdelay $0x1  }
0xa3: {  	s24 =	simm.s32 $0x1B8B  }
0xa4: {  	_ =	swait.ge [sflag:s24], $0x1  }
0xa5: {  	[sflag:s24] =	ssyncset.done $0x0  }
0xa6: {  	s25 =	simm.s32 $0x1B8E;
	[sflag:s24] =	ssyncadd.s32 $0xFFFFFFFF  }
0xa7: {  	s26 =	simm.s32 $execute0_lowered;
	[smem:$0x3FD2] =	sst s25  }
0xa8: {  	s6 =	sshll.u32 s26, $0x1;
	_ =	strace $0x80000046;
	[dreg:$0x1] =	wrdreg $0xFFFFFFFF  }
0xa9: {  	s28 =	simm.s32 $_size_execute0_lowered;
	s5 =	sadd.s32 s5, s6;
	[dreg:$0x0] =	wrdreg $0x0  }
0xaa: {  	s6 =	sshll.u32 s28, $0x1;
	[dreg:$0x2] =	wrdreg s5  }
0xab: {  	[dreg:$0x3] =	wrdreg s6  }
0xac: {  	[dreg:$0x4] =	wrdreg $0xC0  }
0xad: {  	_ =	task [dreg:s9], $0x5FFFF  }
0xae: {  	[dreg:$0x1] =	wrdreg $0xFFFFFFFF  }
0xaf: {  	[dreg:$0x0] =	wrdreg $0x60  }
0xb0: {  	[dreg:$0x2] =	wrdreg s2  }
0xb1: {  	[dreg:$0x3] =	wrdreg s19  }
0xb2: {  	[dreg:$0x4] =	wrdreg s4  }
0xb3: {  	[dreg:$0x5] =	wrdreg $0x15000  }
0xb4: {  	[dreg:$0x6] =	wrdreg $0x9  }
0xb5: {  	_ =	task.clear_ibuf [dreg:s9], $0x7FFFF;
	_ =	strace $0x90000046  }
0xb6: {  	s29 =	simm.s32 $0x9;
	_ =	strace $0x80000048  }
0xb7: {  	_ =	swait.ge [sflag:s29], $0x1  }
0xb8: {  	[sflag:s29] =	ssyncadd.s32 $0xFFFFFFFF  }
0xb9: {  	_ =	strace $0x90000048  }
0xba: {  	_ =	sfence  }
0xbb: {  	s30 =	sld [smem:$0x0];
	_ =	sdelay $0x2  }
0xbc: {  	s31 =	sshll.u32 s1, $0xD;
	s1 =	sshrl.u32 s1, $0x2  }
0xbd: {  	s3 =	sand.u32 $0x4000, s31;
	s1 =	sadd.s32 s1, s30  }
0xbe: {  	s0 =	sor.u32 s3, s0;
	s1 =	sshll.u32 s1, $0x11  }
0xbf: {  	s0 =	sor.u32 s1, s0  }
0xc0: {  	s0 =	sadd.s32 $0x8F2B, s0  }
0xc1: {  	[sflag:s0] =	ssyncadd.remote.s32 $0x1  }
0xc2: {  	_ =	sfence.sel $0xFFFF  }
0xc3: {  	[dreg:$0x0] =	wrdreg $0xFFFFFFFF;
	(pc) =	sbr.abs _section_cstart, $3  }
0xc4: {  	[dreg:$0x1] =	wrdreg $0xFFFFFFFF  }
0xc5: {  	_ =	task.clear_ibuf [dreg:s9], $0x2FFFF;
	_ =	strace $0x9FFFFFFF  }
0xc6: {  	(tm) =	ssettm $0x7FFFFFFF  }
0xc7: {  	_ =	shalt  }
tec
execute0_lowered:
.L_overlay_start_1:
0x0: {  	(tag) =	ssettag $0x1  }
0x1: {  	s1 =	rddreg [dreg:$0x0]  }
0x2: {  	s7 =	rddreg [dreg:$0x1];
	s2 =	srdreg.scid  }
0x3: {  	s11 =	rddreg [dreg:$0x2];
	s0 =	stileid.u32  }
0x4: {  	s3 =	rddreg [dreg:$0x3];
	s5 =	simm.s32 $0x0;
	s17 =	simm.s32 $0x800  }
0x5: {  	s18 =	simm.s32 $0x1;
	s19 =	simm.s32 $0x80;
	s20 =	simm.s32 $0x400  }
0x6: {  	s21 =	simm.s32 $0x0;
	s8 =	sand.u32 $0x1, s2;
	s2 =	rddreg [dreg:$0x4]  }
0x7: {  	s9 =	sshll.u32 s0, $0xB;
	[smem:$0x7FF] =	sst s5;
	s14 =	sshll.u32 s0, $0x8  }
0x8: {  	s29 =	sshll.u32 s0, $0x7;
	s15 =	sshll.u32 s0, $0x4;
	s30 =	sadd.s32 $0x1, s0  }
0x9: {  	p0 =	seq.s32 s0, $0xF;
	s4 =	sshll.u32 s8, $0xA;
	_ =	strace $0x80000047  }
0xa: {  	s10 =	ssub.s32 $0x2, s8;
	s7 =	sadd.s32 s7, s14;
	s8 =	sshll.u32 s8, $0xD  }
0xb: {  	s14 =	sand.u32 $0x380, s29;
	s6 =	sor.u32 s4, s9;
	s13 =	sshrl.u32 s10, $0x1  }
0xc: {  	s9 =	sand.u32 $0x4000, s9;
	s6 =	smax.u32 s6, $0x200;
	s13 =	ssub.s32 s10, s13  }
0xd: {  	s16 =	sor.u32 s8, s9;
	s9 =	sadd.s32 s15, s3;
	s15 =	simm.s32 $0x1100  }
0xe: {  	s12 =	smin.u32 s6, $0x7A00;
	s14 =	sor.u32 s14, s16;
	s16 =	simm.s32 $0x3  }
0xf: {  	v0 =	vimm.s32 $0x0;
	s6 =	sadd.s32 $0xFFFFFE00, s12;
	s10 =	sadd.s32 $0x600, s12;
	s31 =	sshrl.u32 s14, $0x3  }
0x10: {  	v1 =	vlaneseq.u32;
	v2 =	vmov s0;
	v3 =	vmov s30;
	s12 =	smax.u32 s13, $0x1;
	s13 =	simm.s32 $0x900;
	s28 =	sshrl.u32 s6, $0x3  }
0x11: {  	vm1 =	veq.s32 v2, v1;
	v2 =	vmul.u32 $0xFFFFFFFF, v1;
	vm0 =	veq.s32 v3, v1;
	s14 =	simm.s32 $0x2;
	s11 =	sadd.s32 s11, s31;
	s8 =	sadd.s32 s1, s28  }
.LBB2_1:
0x12: {  	[tilespmem:s5], [sflag:$0x2] =	stream.linear.gather [hbm4b:s7+s5], $0x800, $0x38;
	[tilespmem:$0x1510] =	vst v63  }
0x13: {  	_ = 	snop  }
0x14: {  	[tilespmem:s13], [sflag:$0x1] =	stream.linear.gather [hbm4b:s8+s5], $0x800, $0x38;
	[tilespmem:$0x1510] =	vst v63  }
0x15: {  	_ =	swait.ge [sflag:s14], $0x800  }
0x16: {  	v4 =	vimm.s32 $0x800;
	[sflag:s14] =	ssyncset.done $0x0  }
0x17: {  	s22 =	simm.s32 $0xB;
	v3 =	vimm.s32 $0x0;
	v5 =	vadd.s32 v0, v4;
	vm2 =	vlt.s32 v0, v4;
	[sflag:s14] =	ssyncadd.s32 $0xFFFFF800  }
.LBB2_2:
0x18: {  	p1 =	sne.s32 s22, $0x1;
	v6 =	vand.u32 $0x1, v5  }
0x19: {  	v7 =	vshrl.u32 v5, $0x1F;
	vm3 =	vlt.s32 v5, $0x1;
	vm4 =	veq.s32 v6, $0x1  }
0x1a: {  	v5 =	vadd.s32 v7, v5;
	vm3 =	vmand vm3, vm4  }
0x1b: {  	v5 =	vshra.s32 v5, $0x1;
	v6 =	vsel vm3, $0xFFFFFFFF, v0  }
0x1c: {  	v5 =	vadd.s32 v6, v5  }
0x1d: {  	vm3 =	vlt.s32 v5, $0x7FF;
	v6 =	vadd.s32 $0x1, v5  }
0x1e: {  	v7 =	vnsel vm3, $0x7FF, v5;
	_ =	sdelay $0x4  }
0x1f: {  	v7 =	vld.idx.msk [tilespmem:v7+s5+$0x0], $0xffff;
	_ =	sdelay $0x5  }
.Ltmp0:
0x20: {  	vm3 =	vlt.s32 v7, v1;
	(pc) =	sbr.rel @p1 .LBB2_2-.Ltmp0, $4  }
0x21: {  	vm3 =	vmand vm2, vm3  }
0x22: {  	v3 =	vsel vm3, v6, v3;
	vm2 =	vmxor vm2, vm3  }
0x23: {  	v4 =	vsel vm2, v5, v4  }
0x24: {  	s22 =	sadd.s32 $0xFFFFFFFF, s22;
	v5 =	vadd.s32 v3, v4;
	vm2 =	vlt.s32 v3, v4  }
0x25: {  	v4 =	vand.u32 $0x1, v5  }
0x26: {  	v6 =	vshrl.u32 v5, $0x1F;
	vm3 =	vlt.s32 v5, $0x1;
	vm4 =	veq.s32 v4, $0x1  }
0x27: {  	v46 =	vadd.s32 v6, v5;
	vm3 =	vmand vm3, vm4  }
0x28: {  	v4 =	vshra.s32 v46, $0x1;
	v47 =	vsel vm3, $0xFFFFFFFF, v0  }
0x29: {  	v4 =	vadd.s32 v47, v4  }
0x2a: {  	vm3 =	vlt.s32 v4, $0x7FF  }
0x2b: {  	v5 =	vnsel vm3, $0x7FF, v4;
	_ =	sdelay $0x4  }
0x2c: {  	v5 =	vld.idx.msk [tilespmem:v5+s5+$0x0], $0xffff;
	_ =	sdelay $0x4  }
0x2d: {  	vm3 =	vlt.s32 v5, v1  }
0x2e: {  	v4 =	vadd.s32 $0x1, v4;
	vm2 =	vmand vm2, vm3  }
0x2f: {  	v3 =	vsel vm2, v4, v3  }
0x30: {  	v3 =	vcvt.s32.f32 v3;
	_ =	sdelay $0x1  }
0x31: {  	[tilespmem:$0x1100] =	vst v3  }
0x32: {  	[spmem:s9] =	stream.linear.scatter [tilespmem:s15], [sflag:$0x3], $0x10, $0x38;
	[tilespmem:$0x1510] =	vst v63  }
0x33: {  	_ =	swait.ge [sflag:s16], $0x10  }
0x34: {  	[sflag:s16] =	ssyncset.done $0x0  }
0x35: {  	[sflag:s16] =	ssyncadd.s32 $0xFFFFFFF0  }
0x36: {  	[bflag:$0x0] =	sbarrier.arrive $0xFFFF  }
0x37: {  	[tilespmem:s17], [sflag:$0x3] =	stream.linear.gather [spmem:s3], $0x100, $0x38;
	[tilespmem:$0x1510] =	vst v63  }
0x38: {  	_ =	swait.ge [sflag:s16], $0x100  }
0x39: {  	[sflag:s16] =	ssyncset.done $0x0  }
0x3a: {  	[sflag:s16] =	ssyncadd.s32 $0xFFFFFF00  }
0x3b: {  	v3 =	vld [tilespmem:$0x800];
	_ =	sdelay $0x1  }
0x3c: {  	v48 =	vld [tilespmem:$0x810];
	_ =	sdelay $0x1  }
0x3d: {  	v49 =	vld [tilespmem:$0x820]  }
0x3e: {  	v3 =	vadd.f32 $0.0e+00, v3  }
0x3f: {  	v50 =	vld [tilespmem:$0x830]  }
0x40: {  	v3 =	vadd.f32 v48, v3  }
0x41: {  	v51 =	vld [tilespmem:$0x840]  }
0x42: {  	v3 =	vadd.f32 v49, v3  }
0x43: {  	v52 =	vld [tilespmem:$0x850]  }
0x44: {  	v3 =	vadd.f32 v50, v3  }
0x45: {  	v53 =	vld [tilespmem:$0x860]  }
0x46: {  	v3 =	vadd.f32 v51, v3  }
0x47: {  	v54 =	vld [tilespmem:$0x870]  }
0x48: {  	v3 =	vadd.f32 v52, v3  }
0x49: {  	v55 =	vld [tilespmem:$0x880]  }
0x4a: {  	v3 =	vadd.f32 v53, v3  }
0x4b: {  	v56 =	vld [tilespmem:$0x890]  }
0x4c: {  	v3 =	vadd.f32 v54, v3  }
0x4d: {  	v57 =	vld [tilespmem:$0x8A0]  }
0x4e: {  	v3 =	vadd.f32 v55, v3  }
0x4f: {  	v58 =	vld [tilespmem:$0x8B0]  }
0x50: {  	v3 =	vadd.f32 v56, v3  }
0x51: {  	v59 =	vld [tilespmem:$0x8C0]  }
0x52: {  	v3 =	vadd.f32 v57, v3  }
0x53: {  	v60 =	vld [tilespmem:$0x8D0]  }
0x54: {  	v3 =	vadd.f32 v58, v3  }
0x55: {  	v61 =	vld [tilespmem:$0x8E0]  }
0x56: {  	v3 =	vadd.f32 v59, v3  }
0x57: {  	v62 =	vld [tilespmem:$0x8F0]  }
0x58: {  	v3 =	vadd.f32 v60, v3;
	_ =	sdelay $0x1  }
0x59: {  	v3 =	vadd.f32 v61, v3;
	_ =	sdelay $0x1  }
0x5a: {  	v3 =	vadd.f32 v62, v3;
	_ =	sdelay $0x1  }
0x5b: {  	v3 =	vtrunc.f32 v3  }
0x5c: {  	v3 =	vcvt.f32.s32 v3;
	_ =	sdelay $0x1  }
0x5d: {  	v63 =	vnsel vm1, $0x0, v3  }
0x5e: {  	(xrf0) =	vadd.scan.msk.s32 $0xffff, v63;
	_ =	sdelay $0x2  }
0x5f: {  	v3 =	vnsel vm0, $0x0, v3;
	_ =	sdelay $0x2  }
0x60: {  	(xrf0) =	vadd.scan.msk.s32 $0xffff, v3;
	v3, _, _ =	vpop (xrf0)  }
0x61: {  	(v2sf) =	vpush v3, $0xF;
	_ =	sdelay $0x4  }
0x62: {  	v3, _, _ =	vpop (xrf0)  }
0x63: {  	(v2sf) =	vpush v3, $0xF;
	_ =	sdelay $0x8  }
0x64: {  	s24 =	spop (v2sf)  }
0x65: {  	s22 =	sadd.s32 s4, s24  }
0x66: {  	p1 =	slt.s32 s22, s6;
	s25 =	sadd.s32 $0x400, s22  }
0x67: {  	p2 =	sle.s32 @!p1 s25, s10  }
0x68: {  	p1 =	por p1, !p2  }
.Ltmp1:
0x69: {  	_ = 	snop;
	(pc) =	sbr.rel @!p1 .LBB2_5-.Ltmp1, $4  }
0x6a: {  	s23 =	spop (v2sf)  }
0x6b: {  	_ =	swait.ge [sflag:s18], $0x800  }
0x6c: {  	[sflag:s18] =	ssyncset.done $0x0  }
0x6d: {  	s25 =	smov.u32 s6;
	[sflag:s18] =	ssyncadd.s32 $0xFFFFF800  }
0x6e: {  	s24 =	sand.u32 $0xF, s24  }
0x6f: {  	s25 =	sshra.s32 s22, $0x1F;
	p1 =	slt.s32 s22, $0x1;
	p2 =	sne.s32 s24, $0x0  }
0x70: {  	s31 =	sshrl.u32 s25, $0x1C;
	p1 =	por !p1, !p2  }
0x71: {  	s25 =	simm.s32 $0x1;
	s24 =	sadd.s32 s31, s22;
	p1 =	por !p1, !p1  }
0x72: {  	s24 =	sshrl.u32 s24, $0x4;
	s25 =	simm.s32 @!p1 $0x0  }
0x73: {  	s24 =	ssub.s32 s24, s25  }
0x74: {  	s24 =	sshll.u32 s24, $0x4  }
0x75: {  	p1 =	sgt.s32 s24, $0x0  }
0x76: {  	s24 =	simm.s32 @!p1 $0x0  }
0x77: {  	s25 =	smin.u32 s24, $0x7800  }
0x78: {  	s24 =	sshrl.u32 s25, $0x3  }
0x79: {  	s24 =	sadd.s32 s1, s24  }
0x7a: {  	[tilespmem:s13], [sflag:$0x3] =	stream.linear.gather [hbm4b:s24+s5], $0x800, $0x38;
	[tilespmem:$0x1510] =	vst v63  }
0x7b: {  	_ =	swait.ge [sflag:s16], $0x800  }
0x7c: {  	[sflag:s16] =	ssyncset.done $0x0  }
0x7d: {  	[sflag:s16] =	ssyncadd.s32 $0xFFFFF800  }
.LBB2_5:
0x7e: {  	s24 =	ssub.s32 s22, s25  }
0x7f: {  	s28 =	simm.s32 $0x0;
	v3 =	vadd.s32 s24, v1  }
0x80: {  	v4 =	vadd.s32 s28, v3  }
0x81: {  	vm2 =	vlt.s32 v4, $0x7FF  }
0x82: {  	v4 =	vnsel vm2, $0x7FF, v4;
	_ =	sdelay $0x3  }
0x83: {  	s29 =	simm.s32 $0x10  }
0x84: {  	v5 =	vld.idx.msk [tilespmem:v4+s13+$0x0], $0xffff;
	v4 =	vadd.s32 s29, v3  }
0x85: {  	s23 =	simm.s32 @p0 $0x8000;
	vm2 =	vlt.s32 v4, $0x7FF  }
0x86: {  	s30 =	ssub.s32 s23, s22;
	v6 =	vnsel vm2, $0x7FF, v4  }
0x87: {  	v7 =	vmov s28;
	v4 =	vadd.s32 s30, v2  }
0x88: {  	vm2 =	vlt.s32 v7, v4  }
0x89: {  	s22 =	simm.s32 $0x1120;
	v5 =	vnsel vm2, $0x0, v5  }
0x8a: {  	s31 =	simm.s32 $0x20;
	[tilespmem:s22+$0xFFFFFFE0] =	vst v5  }
0x8b: {  	v5 =	vld.idx.msk [tilespmem:v6+s13+$0x0], $0xffff;
	v6 =	vadd.s32 s31, v3  }
0x8c: {  	vm2 =	vlt.s32 v6, $0x7FF  }
0x8d: {  	v6 =	vnsel vm2, $0x7FF, v6  }
0x8e: {  	v7 =	vmov s29  }
0x8f: {  	vm2 =	vlt.s32 v7, v4  }
0x90: {  	v5 =	vnsel vm2, $0x0, v5  }
0x91: {  	s25 =	simm.s32 $0x30;
	[tilespmem:s22+$0xFFFFFFF0] =	vst v5  }
0x92: {  	v5 =	vld.idx.msk [tilespmem:v6+s13+$0x0], $0xffff;
	v6 =	vadd.s32 s25, v3  }
0x93: {  	vm2 =	vlt.s32 v6, $0x7FF  }
0x94: {  	v6 =	vnsel vm2, $0x7FF, v6  }
0x95: {  	v7 =	vmov s31  }
0x96: {  	vm2 =	vlt.s32 v7, v4  }
0x97: {  	v5 =	vnsel vm2, $0x0, v5  }
0x98: {  	[tilespmem:s22+$0x0] =	vst v5  }
0x99: {  	s23 =	simm.s32 $0x0;
	s24 =	simm.s32 $0x40;
	v5 =	vld.idx.msk [tilespmem:v6+s13+$0x0], $0xffff  }
.LBB2_6:
0x9a: {  	v6 =	vadd.s32 s24, v3;
	s23 =	sadd.s32 $0x4, s23  }
0x9b: {  	vm2 =	vlt.s32 v6, $0x7FF;
	p1 =	slt.u32 s23, $0x3C  }
0x9c: {  	v6 =	vnsel vm2, $0x7FF, v6  }
0x9d: {  	v7 =	vmov s25  }
0x9e: {  	vm2 =	vlt.s32 v7, v4  }
0x9f: {  	v5 =	vnsel vm2, $0x0, v5  }
0xa0: {  	[tilespmem:s22+$0x10] =	vst v5  }
0xa1: {  	s25 =	sadd.s32 $0x10, s24;
	v5 =	vld.idx.msk [tilespmem:v6+s13+$0x0], $0xffff  }
0xa2: {  	v6 =	vadd.s32 s25, v3  }
0xa3: {  	vm2 =	vlt.s32 v6, $0x7FF  }
0xa4: {  	v6 =	vnsel vm2, $0x7FF, v6  }
0xa5: {  	v7 =	vmov s24  }
0xa6: {  	vm2 =	vlt.s32 v7, v4  }
0xa7: {  	s22 =	sadd.s32 $0x40, s22;
	v5 =	vnsel vm2, $0x0, v5  }
0xa8: {  	[tilespmem:s22+$0xFFFFFFE0] =	vst v5  }
0xa9: {  	s26 =	sadd.s32 $0x20, s24;
	v5 =	vld.idx.msk [tilespmem:v6+s13+$0x0], $0xffff  }
0xaa: {  	v6 =	vadd.s32 s26, v3  }
0xab: {  	vm2 =	vlt.s32 v6, $0x7FF  }
0xac: {  	v6 =	vnsel vm2, $0x7FF, v6  }
0xad: {  	v7 =	vmov s25  }
0xae: {  	vm2 =	vlt.s32 v7, v4  }
0xaf: {  	v5 =	vnsel vm2, $0x0, v5  }
0xb0: {  	[tilespmem:s22+$0xFFFFFFF0] =	vst v5  }
0xb1: {  	s25 =	sadd.s32 $0x30, s24;
	v5 =	vld.idx.msk [tilespmem:v6+s13+$0x0], $0xffff  }
0xb2: {  	v6 =	vadd.s32 s25, v3  }
0xb3: {  	vm2 =	vlt.s32 v6, $0x7FF  }
0xb4: {  	v6 =	vnsel vm2, $0x7FF, v6  }
.Ltmp2:
0xb5: {  	v7 =	vmov s26;
	(pc) =	sbr.rel @p1 .LBB2_6-.Ltmp2, $4  }
0xb6: {  	vm2 =	vlt.s32 v7, v4  }
0xb7: {  	v5 =	vnsel vm2, $0x0, v5  }
0xb8: {  	[tilespmem:s22+$0x0] =	vst v5  }
0xb9: {  	s24 =	sadd.s32 $0x40, s24;
	v5 =	vld.idx.msk [tilespmem:v6+s13+$0x0], $0xffff  }
0xba: {  	_ =	sdelay $0x1  }
0xbb: {  	v3 =	vmov s25  }
0xbc: {  	s21 =	sadd.s32 $0x1, s21;
	vm2 =	vlt.s32 v3, v4  }
0xbd: {  	p1 =	sne.s32 s21, s12;
	v3 =	vnsel vm2, $0x0, v5  }
.Ltmp3:
0xbe: {  	[tilespmem:s22+$0x10] =	vst v3;
	(pc) =	sbr.rel @p1 .LBB2_1-.Ltmp3, $4  }
0xbf: {  	[hbm4b:s11+s19] =	stream.strided.scatter [tilespmem:s15], [sflag:$0x3], $0x400, s20, s19, $0x38;
	[tilespmem:$0x1510] =	vst v63  }
0xc0: {  	_ =	swait.ge [sflag:s16], $0x400  }
0xc1: {  	[sflag:s16] =	ssyncset.done $0x0  }
0xc2: {  	[sflag:s16] =	ssyncadd.s32 $0xFFFFFC00  }
0xc3: {  	_ =	sfence.sel $0x180000  }
0xc4: {  	[bflag:$0x0] =	sbarrier.arrive $0xFFFF  }
0xc5: {  	p0 =	sne.s32 s0, $0x0;
	_ =	strace $0x90000047  }
0xc6: {  	s0 =	sadd.s32 @!p0 $0x100000, s2;
	[bflag:$0x2] =	sbarrier.arrive $0xFFFF  }
0xc7: {  	[sflag:s0] =	ssyncadd.tile.s32 @!p0 $0x1;
	_ =	shalt  }
.Lfunc_end2:
_tile_overlayer_lowered:
.L_overlay_start_2:
0xc8: {  	(tag) =	ssettag $0x2  }
0xc9: {  	s0 =	rddreg [dreg:$0x0];
	s2 =	stileid.u32  }
0xca: {  	s1 =	rddreg [dreg:$0x1];
	p0 =	sne.s32 s2, $0x0  }
0xcb: {  	s3 =	rddreg [dreg:$0x2];
	[bflag:$0x3] =	sbarrier.arrive $0xFFFF;
	s2 =	simm.s32 @!p0 $0x1C03  }
0xcc: {  	[timem:s3], [sflag:s2] =	dma.local @!p0 [hbm:s0], s1  }
0xcd: {  	s0 =	simm.s32 @!p0 $0x3  }
0xce: {  	_ =	swait.ge @!p0 [sflag:s0], s1  }
0xcf: {  	s1 =	ssub.s32 @!p0 $0x0, s1;
	[sflag:s0] =	ssyncset.done @!p0 $0x0  }
0xd0: {  	[sflag:s0] =	ssyncadd.s32 @!p0 s1  }
0xd1: {  	[bflag:$0x3] =	sbarrier.arrive $0xFFFF  }
0xd2: {  	_ =	shalt  }

</sc_bundles>
